<compile_context>
chip_gen: v7x
topology: tpu7x:2x2x1
jax: 0.10.2.dev20260603
libtpu: 0.0.44.dev20260713+nightly
codegen_flags: <defaults>
</compile_context>

<pallas_src>
import functools

import jax
import jax.numpy as jnp
from jax.experimental import pallas as pl
from jax.experimental.pallas import tpu as pltpu

N_BINS = 8
SHARP = 25.0 * N_BINS
ROWS_PER_STEP = 2048


def _fused_kernel(x_ref, w_ref, b_ref, z_ref, hist_ref, acc_ref, wp_ref, bias_ref,
                  *, nsteps, n_samples):
    i = pl.program_id(0)
    in_dim, d = w_ref.shape

    @pl.when(i == 0)
    def _init():
        acc_ref[...] = jnp.zeros_like(acc_ref)
        wp_ref[...] = jnp.zeros_like(wp_ref)
        wp_ref[0:in_dim, 0:d] = w_ref[...]
        wp_ref[in_dim : 2 * in_dim, d : 2 * d] = w_ref[...]
        bias_ref[:, 0:d] = b_ref[...]
        bias_ref[:, d : 2 * d] = b_ref[...]

    p = jnp.dot(x_ref[...], wp_ref[...], preferred_element_type=jnp.float32)
    p = p + bias_ref[0:1, :]
    t0 = jnp.tanh(0.5 * p)
    z_ref[...] = 0.5 * t0 + 0.5
    zz = (0.25 * SHARP) * t0 + (0.25 * SHARP)

    r = zz.shape[0]
    for k in range(N_BINS + 1):
        t = jnp.tanh(zz - (0.5 * SHARP / N_BINS) * k)
        acc_ref[k] += t.reshape(r // 8, 8, 128).sum(axis=0)

    @pl.when(i == nsteps - 1)
    def _finalize():
        a = acc_ref[...].sum(axis=1)
        a = a[:, :64] + a[:, 64:]
        h = (a[0:N_BINS, :] - a[1 : N_BINS + 1, :]) * (0.5 / n_samples)
        denom = jnp.maximum(h.sum(axis=0, keepdims=True), 1e-6)
        hist_ref[...] = (h / denom).T


def kernel(X, W, b, attention):
    del attention
    n, in_dim = X.shape
    d = W.shape[1]
    xr = X.reshape(n // 2, 2 * in_dim)
    b8 = jnp.broadcast_to(b[None, :], (8, d))

    nsteps = (n // 2) // ROWS_PER_STEP
    z2, hist = pl.pallas_call(
        functools.partial(_fused_kernel, nsteps=nsteps, n_samples=n),
        grid=(nsteps,),
        in_specs=[
            pl.BlockSpec((ROWS_PER_STEP, 2 * in_dim), lambda i: (i, 0)),
            pl.BlockSpec((in_dim, d), lambda i: (0, 0)),
            pl.BlockSpec((8, d), lambda i: (0, 0)),
        ],
        out_specs=[
            pl.BlockSpec((ROWS_PER_STEP, 2 * d), lambda i: (i, 0)),
            pl.BlockSpec((d, N_BINS), lambda i: (0, 0)),
        ],
        out_shape=[
            jax.ShapeDtypeStruct((n // 2, 2 * d), jnp.float32),
            jax.ShapeDtypeStruct((d, N_BINS), jnp.float32),
        ],
        scratch_shapes=[
            pltpu.VMEM((N_BINS + 1, 8, 128), jnp.float32),
            pltpu.VMEM((2 * in_dim, 2 * d), jnp.float32),
            pltpu.VMEM((8, 2 * d), jnp.float32),
        ],
    )(xr, W, b8)

    return (hist.reshape(-1), z2.reshape(n, d))

# --- scband reference (transcript-rebuilt; emitter-appended) ---
"""Pipeline reference for scband-phi-grande-histograms-79396765434016 (READ-ONLY COPY).

The authoritative reference and input builder live on the scoring server;
editing this copy changes nothing except your own understanding.
"""

import jax, jax.numpy as jnp
import numpy as np

N = 131072
IN_DIM = 256
LATENT_DIMS = 64
N_BINS = 8


def setup_inputs(seed: int = 0) -> dict:
    key = jax.random.key(seed)
    k1, k2, k3 = jax.random.split(key, 3)
    X = jax.random.normal(k1, (N, IN_DIM), dtype=jnp.float32)
    # phi_pequena: Linear(IN_DIM -> LATENT_DIMS) followed by sigmoid
    W = jax.random.normal(k2, (IN_DIM, LATENT_DIMS), dtype=jnp.float32) * (1.0 / np.sqrt(IN_DIM))
    b = jnp.zeros((LATENT_DIMS,), dtype=jnp.float32)
    # module-level attention parameter (declared in __init__, unused in forward)
    attention = jax.random.uniform(k3, (LATENT_DIMS,), dtype=jnp.float32)
    return {"X": X, "W": W, "b": b, "attention": attention}


def _phi_pequena(X, W, b):
    # small feature extractor; sigmoid keeps latent features in [0, 1] so the
    # fixed-range histogram below is well defined (HistNetQ convention)
    return jax.nn.sigmoid(X @ W + b)


def _histnet(Z, n_bins=N_BINS):
    # differentiable (soft) histogram per latent dimension over the whole bag
    centers = (jnp.arange(n_bins, dtype=jnp.float32) + 0.5) / n_bins
    width = 1.0 / n_bins
    sharp = 25.0 * n_bins
    z = Z[:, :, None] - centers[None, None, :]          # [N, D, BINS]
    soft = jax.nn.sigmoid((z + width / 2.0) * sharp) - jax.nn.sigmoid((z - width / 2.0) * sharp)
    hist = soft.mean(axis=0)                             # [D, BINS]
    hist = hist / jnp.clip(hist.sum(axis=1, keepdims=True), 1e-6, None)
    return hist.reshape(-1)                              # [D * BINS]


def reference(X, W, b, attention):
    Xl = _phi_pequena(X, W, b)
    hist = _histnet(Xl)
    return (hist, Xl)

if __name__ == "__main__":
    import jax
    _d = setup_inputs()
    print(jax.jit(kernel)(*tuple(_d.values())))

</pallas_src>

<mosaic_0001>
module attributes {stable_mosaic.version = 14 : i64} {
  func.func @_fused_kernel(%arg0: i32, %arg1: memref<2048x512xf32, #tpu.memory_space<vmem>>, %arg2: memref<256x64xf32, #tpu.memory_space<vmem>>, %arg3: memref<8x64xf32, #tpu.memory_space<vmem>>, %arg4: memref<2048x128xf32, #tpu.memory_space<vmem>>, %arg5: memref<64x8xf32, #tpu.memory_space<vmem>>, %arg6: memref<9x8x128xf32, #tpu.memory_space<vmem>>, %arg7: memref<512x128xf32, #tpu.memory_space<vmem>>, %arg8: memref<8x128xf32, #tpu.memory_space<vmem>>) attributes {dimension_semantics = [#tpu.dimension_semantics<arbitrary>], iteration_bounds = array<i64: 32>, scalar_prefetch = 0 : i64, scratch_operands = 3 : i64, tpu.core_type = #tpu.core_type<tc>, window_params = [{transform_indices = @transform_0, window_bounds = array<i64: 2048, 512>}, {pipeline_mode = #tpu.pipeline_mode<synchronous>, transform_indices = @transform_1, window_bounds = array<i64: 256, 64>}, {pipeline_mode = #tpu.pipeline_mode<synchronous>, transform_indices = @transform_2, window_bounds = array<i64: 8, 64>}, {transform_indices = @transform_3, window_bounds = array<i64: 2048, 128>}, {pipeline_mode = #tpu.pipeline_mode<synchronous>, transform_indices = @transform_4, window_bounds = array<i64: 64, 8>}]} {
    %eq3A = arith.constant 0 : i32
    %eq3A_0 = arith.cmpi eq, %arg0, %eq3A : i32
    %convert_element_type3A = arith.extui %eq3A_0 : i1 to i32
    %cond3A = arith.constant 0 : i32
    %cond3A_1 = arith.cmpi ne, %convert_element_type3A, %cond3A : i32
    scf.if %cond3A_1 {
      %broadcast_in_dim3A = arith.constant 0.000000e+00 : f32
      %broadcast_in_dim3A_201 = vector.broadcast %broadcast_in_dim3A : f32 to vector<9x8x128xf32>
      %swap3A_202 = arith.constant 0 : index
      %swap3A_203 = arith.constant 0 : index
      %swap3A_204 = arith.constant 0 : index
      %swap3A_205 = vector.load %arg6[%swap3A_202, %swap3A_203, %swap3A_204] : memref<9x8x128xf32, #tpu.memory_space<vmem>>, vector<9x8x128xf32>
      tpu.vector_store %arg6[%swap3A_202, %swap3A_203, %swap3A_204], %broadcast_in_dim3A_201 {strides = array<i32>} : memref<9x8x128xf32, #tpu.memory_space<vmem>>, vector<9x8x128xf32>,
      %broadcast_in_dim3A_206 = arith.constant 0.000000e+00 : f32
      %broadcast_in_dim3A_207 = vector.broadcast %broadcast_in_dim3A_206 : f32 to vector<512x128xf32>
      %swap3A_208 = arith.constant 0 : index
      %swap3A_209 = arith.constant 0 : index
      %swap3A_210 = vector.load %arg7[%swap3A_208, %swap3A_209] : memref<512x128xf32, #tpu.memory_space<vmem>>, vector<512x128xf32>
      tpu.vector_store %arg7[%swap3A_208, %swap3A_209], %broadcast_in_dim3A_207 {strides = array<i32>} : memref<512x128xf32, #tpu.memory_space<vmem>>, vector<512x128xf32>,
      %get3A_211 = arith.constant 0 : index
      %get3A_212 = arith.constant 0 : index
      %get3A_213 = vector.load %arg2[%get3A_211, %get3A_212] : memref<256x64xf32, #tpu.memory_space<vmem>>, vector<256x64xf32>
      %swap3A_214 = arith.constant 0 : index
      %swap3A_215 = arith.constant 0 : index
      %swap3A_216 = vector.load %arg7[%swap3A_214, %swap3A_215] : memref<512x128xf32, #tpu.memory_space<vmem>>, vector<256x64xf32>
      tpu.vector_store %arg7[%swap3A_214, %swap3A_215], %get3A_213 {strides = array<i32>} : memref<512x128xf32, #tpu.memory_space<vmem>>, vector<256x64xf32>,
      %get3A_217 = arith.constant 0 : index
      %get3A_218 = arith.constant 0 : index
      %get3A_219 = vector.load %arg2[%get3A_217, %get3A_218] : memref<256x64xf32, #tpu.memory_space<vmem>>, vector<256x64xf32>
      %swap3A_220 = arith.constant 256 : index
      %swap3A_221 = arith.constant 64 : index
      %swap3A_222 = vector.load %arg7[%swap3A_220, %swap3A_221] : memref<512x128xf32, #tpu.memory_space<vmem>>, vector<256x64xf32>
      tpu.vector_store %arg7[%swap3A_220, %swap3A_221], %get3A_219 {strides = array<i32>} : memref<512x128xf32, #tpu.memory_space<vmem>>, vector<256x64xf32>,
      %get3A_223 = arith.constant 0 : index
      %get3A_224 = arith.constant 0 : index
      %get3A_225 = vector.load %arg3[%get3A_223, %get3A_224] : memref<8x64xf32, #tpu.memory_space<vmem>>, vector<8x64xf32>
      %swap3A_226 = arith.constant 0 : index
      %swap3A_227 = arith.constant 0 : index
      %swap3A_228 = vector.load %arg8[%swap3A_226, %swap3A_227] : memref<8x128xf32, #tpu.memory_space<vmem>>, vector<8x64xf32>
      tpu.vector_store %arg8[%swap3A_226, %swap3A_227], %get3A_225 {strides = array<i32>} : memref<8x128xf32, #tpu.memory_space<vmem>>, vector<8x64xf32>,
      %get3A_229 = arith.constant 0 : index
      %get3A_230 = arith.constant 0 : index
      %get3A_231 = vector.load %arg3[%get3A_229, %get3A_230] : memref<8x64xf32, #tpu.memory_space<vmem>>, vector<8x64xf32>
      %swap3A_232 = arith.constant 0 : index
      %swap3A_233 = arith.constant 64 : index
      %swap3A_234 = vector.load %arg8[%swap3A_232, %swap3A_233] : memref<8x128xf32, #tpu.memory_space<vmem>>, vector<8x64xf32>
      tpu.vector_store %arg8[%swap3A_232, %swap3A_233], %get3A_231 {strides = array<i32>} : memref<8x128xf32, #tpu.memory_space<vmem>>, vector<8x64xf32>,
    } else {
    }
    %get3A = arith.constant 0 : index
    %get3A_2 = arith.constant 0 : index
    %get3A_3 = vector.load %arg1[%get3A, %get3A_2] : memref<2048x512xf32, #tpu.memory_space<vmem>>, vector<2048x512xf32>
    %get3A_4 = arith.constant 0 : index
    %get3A_5 = arith.constant 0 : index
    %get3A_6 = vector.load %arg7[%get3A_4, %get3A_5] : memref<512x128xf32, #tpu.memory_space<vmem>>, vector<512x128xf32>
    %dot_general3A = arith.constant dense<0.000000e+00> : vector<2048x128xf32>
    %dot_general3A_7 = tpu.matmul %get3A_3, %get3A_6, %dot_general3A {dimension_numbers = #tpu.dot_dimension_numbers<[1], [0], [0], [1], [0, 0, 1, 1], [], []>, transpose_lhs_hint = false} : vector<2048x512xf32>, vector<512x128xf32>, vector<2048x128xf32> -> vector<2048x128xf32>
    %get3A_8 = arith.constant 0 : index
    %get3A_9 = arith.constant 0 : index
    %get3A_10 = vector.load %arg8[%get3A_8, %get3A_9] : memref<8x128xf32, #tpu.memory_space<vmem>>, vector<1x128xf32>
    %add3A = vector.broadcast %get3A_10 : vector<1x128xf32> to vector<2048x128xf32>
    %add3A_11 = arith.addf %dot_general3A_7, %add3A : vector<2048x128xf32>
    %mul3A = arith.constant 5.000000e-01 : f32
    %mul3A_12 = vector.broadcast %mul3A : f32 to vector<2048x128xf32>
    %mul3A_13 = arith.mulf %mul3A_12, %add3A_11 : vector<2048x128xf32>
    %tanh3A = math.tanh %mul3A_13 : vector<2048x128xf32>
    %mul3A_14 = arith.constant 5.000000e-01 : f32
    %mul3A_15 = vector.broadcast %mul3A_14 : f32 to vector<2048x128xf32>
    %mul3A_16 = arith.mulf %mul3A_15, %tanh3A : vector<2048x128xf32>
    %add3A_17 = arith.constant 5.000000e-01 : f32
    %add3A_18 = vector.broadcast %add3A_17 : f32 to vector<2048x128xf32>
    %add3A_19 = arith.addf %mul3A_16, %add3A_18 : vector<2048x128xf32>
    %swap3A = arith.constant 0 : index
    %swap3A_20 = arith.constant 0 : index
    %swap3A_21 = vector.load %arg4[%swap3A, %swap3A_20] : memref<2048x128xf32, #tpu.memory_space<vmem>>, vector<2048x128xf32>
    tpu.vector_store %arg4[%swap3A, %swap3A_20], %add3A_19 {strides = array<i32>} : memref<2048x128xf32, #tpu.memory_space<vmem>>, vector<2048x128xf32>,
    %mul3A_22 = arith.constant 5.000000e+01 : f32
    %mul3A_23 = vector.broadcast %mul3A_22 : f32 to vector<2048x128xf32>
    %mul3A_24 = arith.mulf %mul3A_23, %tanh3A : vector<2048x128xf32>
    %add3A_25 = arith.constant 5.000000e+01 : f32
    %add3A_26 = vector.broadcast %add3A_25 : f32 to vector<2048x128xf32>
    %add3A_27 = arith.addf %mul3A_24, %add3A_26 : vector<2048x128xf32>
    %sub3A = arith.constant 0.000000e+00 : f32
    %sub3A_28 = vector.broadcast %sub3A : f32 to vector<2048x128xf32>
    %sub3A_29 = arith.subf %add3A_27, %sub3A_28 : vector<2048x128xf32>
    %tanh3A_30 = math.tanh %sub3A_29 : vector<2048x128xf32>
    %get3A_31 = arith.constant 0 : index
    %get3A_32 = arith.constant 0 : index
    %get3A_33 = arith.constant 0 : index
    %get3A_34 = vector.load %arg6[%get3A_31, %get3A_32, %get3A_33] : memref<9x8x128xf32, #tpu.memory_space<vmem>>, vector<1x8x128xf32>
    %get3A_35 = vector.shape_cast %get3A_34 : vector<1x8x128xf32> to vector<8x128xf32>
    %reshape3A = vector.shape_cast %tanh3A_30 : vector<2048x128xf32> to vector<256x8x128xf32>
    %reduce_sum3A = arith.constant dense<0.000000e+00> : vector<8x128xf32>
    %reduce_sum3A_36 = vector.multi_reduction <add>, %reshape3A, %reduce_sum3A [0] : vector<256x8x128xf32> to vector<8x128xf32>
    %add3A_37 = arith.addf %get3A_35, %reduce_sum3A_36 : vector<8x128xf32>
    %swap3A_38 = arith.constant 0 : index
    %swap3A_39 = arith.constant 0 : index
    %swap3A_40 = arith.constant 0 : index
    %swap3A_41 = vector.load %arg6[%swap3A_38, %swap3A_39, %swap3A_40] : memref<9x8x128xf32, #tpu.memory_space<vmem>>, vector<1x8x128xf32>
    %swap3A_42 = vector.shape_cast %swap3A_41 : vector<1x8x128xf32> to vector<8x128xf32>
    %swap3A_43 = vector.shape_cast %add3A_37 : vector<8x128xf32> to vector<1x8x128xf32>
    tpu.vector_store %arg6[%swap3A_38, %swap3A_39, %swap3A_40], %swap3A_43 {strides = array<i32>} : memref<9x8x128xf32, #tpu.memory_space<vmem>>, vector<1x8x128xf32>,
    %sub3A_44 = arith.constant 1.250000e+01 : f32
    %sub3A_45 = vector.broadcast %sub3A_44 : f32 to vector<2048x128xf32>
    %sub3A_46 = arith.subf %add3A_27, %sub3A_45 : vector<2048x128xf32>
    %tanh3A_47 = math.tanh %sub3A_46 : vector<2048x128xf32>
    %get3A_48 = arith.constant 1 : index
    %get3A_49 = arith.constant 0 : index
    %get3A_50 = arith.constant 0 : index
    %get3A_51 = vector.load %arg6[%get3A_48, %get3A_49, %get3A_50] : memref<9x8x128xf32, #tpu.memory_space<vmem>>, vector<1x8x128xf32>
    %get3A_52 = vector.shape_cast %get3A_51 : vector<1x8x128xf32> to vector<8x128xf32>
    %reshape3A_53 = vector.shape_cast %tanh3A_47 : vector<2048x128xf32> to vector<256x8x128xf32>
    %reduce_sum3A_54 = arith.constant dense<0.000000e+00> : vector<8x128xf32>
    %reduce_sum3A_55 = vector.multi_reduction <add>, %reshape3A_53, %reduce_sum3A_54 [0] : vector<256x8x128xf32> to vector<8x128xf32>
    %add3A_56 = arith.addf %get3A_52, %reduce_sum3A_55 : vector<8x128xf32>
    %swap3A_57 = arith.constant 1 : index
    %swap3A_58 = arith.constant 0 : index
    %swap3A_59 = arith.constant 0 : index
    %swap3A_60 = vector.load %arg6[%swap3A_57, %swap3A_58, %swap3A_59] : memref<9x8x128xf32, #tpu.memory_space<vmem>>, vector<1x8x128xf32>
    %swap3A_61 = vector.shape_cast %swap3A_60 : vector<1x8x128xf32> to vector<8x128xf32>
    %swap3A_62 = vector.shape_cast %add3A_56 : vector<8x128xf32> to vector<1x8x128xf32>
    tpu.vector_store %arg6[%swap3A_57, %swap3A_58, %swap3A_59], %swap3A_62 {strides = array<i32>} : memref<9x8x128xf32, #tpu.memory_space<vmem>>, vector<1x8x128xf32>,
    %sub3A_63 = arith.constant 2.500000e+01 : f32
    %sub3A_64 = vector.broadcast %sub3A_63 : f32 to vector<2048x128xf32>
    %sub3A_65 = arith.subf %add3A_27, %sub3A_64 : vector<2048x128xf32>
    %tanh3A_66 = math.tanh %sub3A_65 : vector<2048x128xf32>
    %get3A_67 = arith.constant 2 : index
    %get3A_68 = arith.constant 0 : index
    %get3A_69 = arith.constant 0 : index
    %get3A_70 = vector.load %arg6[%get3A_67, %get3A_68, %get3A_69] : memref<9x8x128xf32, #tpu.memory_space<vmem>>, vector<1x8x128xf32>
    %get3A_71 = vector.shape_cast %get3A_70 : vector<1x8x128xf32> to vector<8x128xf32>
    %reshape3A_72 = vector.shape_cast %tanh3A_66 : vector<2048x128xf32> to vector<256x8x128xf32>
    %reduce_sum3A_73 = arith.constant dense<0.000000e+00> : vector<8x128xf32>
    %reduce_sum3A_74 = vector.multi_reduction <add>, %reshape3A_72, %reduce_sum3A_73 [0] : vector<256x8x128xf32> to vector<8x128xf32>
    %add3A_75 = arith.addf %get3A_71, %reduce_sum3A_74 : vector<8x128xf32>
    %swap3A_76 = arith.constant 2 : index
    %swap3A_77 = arith.constant 0 : index
    %swap3A_78 = arith.constant 0 : index
    %swap3A_79 = vector.load %arg6[%swap3A_76, %swap3A_77, %swap3A_78] : memref<9x8x128xf32, #tpu.memory_space<vmem>>, vector<1x8x128xf32>
    %swap3A_80 = vector.shape_cast %swap3A_79 : vector<1x8x128xf32> to vector<8x128xf32>
    %swap3A_81 = vector.shape_cast %add3A_75 : vector<8x128xf32> to vector<1x8x128xf32>
    tpu.vector_store %arg6[%swap3A_76, %swap3A_77, %swap3A_78], %swap3A_81 {strides = array<i32>} : memref<9x8x128xf32, #tpu.memory_space<vmem>>, vector<1x8x128xf32>,
    %sub3A_82 = arith.constant 3.750000e+01 : f32
    %sub3A_83 = vector.broadcast %sub3A_82 : f32 to vector<2048x128xf32>
    %sub3A_84 = arith.subf %add3A_27, %sub3A_83 : vector<2048x128xf32>
    %tanh3A_85 = math.tanh %sub3A_84 : vector<2048x128xf32>
    %get3A_86 = arith.constant 3 : index
    %get3A_87 = arith.constant 0 : index
    %get3A_88 = arith.constant 0 : index
    %get3A_89 = vector.load %arg6[%get3A_86, %get3A_87, %get3A_88] : memref<9x8x128xf32, #tpu.memory_space<vmem>>, vector<1x8x128xf32>
    %get3A_90 = vector.shape_cast %get3A_89 : vector<1x8x128xf32> to vector<8x128xf32>
    %reshape3A_91 = vector.shape_cast %tanh3A_85 : vector<2048x128xf32> to vector<256x8x128xf32>
    %reduce_sum3A_92 = arith.constant dense<0.000000e+00> : vector<8x128xf32>
    %reduce_sum3A_93 = vector.multi_reduction <add>, %reshape3A_91, %reduce_sum3A_92 [0] : vector<256x8x128xf32> to vector<8x128xf32>
    %add3A_94 = arith.addf %get3A_90, %reduce_sum3A_93 : vector<8x128xf32>
    %swap3A_95 = arith.constant 3 : index
    %swap3A_96 = arith.constant 0 : index
    %swap3A_97 = arith.constant 0 : index
    %swap3A_98 = vector.load %arg6[%swap3A_95, %swap3A_96, %swap3A_97] : memref<9x8x128xf32, #tpu.memory_space<vmem>>, vector<1x8x128xf32>
    %swap3A_99 = vector.shape_cast %swap3A_98 : vector<1x8x128xf32> to vector<8x128xf32>
    %swap3A_100 = vector.shape_cast %add3A_94 : vector<8x128xf32> to vector<1x8x128xf32>
    tpu.vector_store %arg6[%swap3A_95, %swap3A_96, %swap3A_97], %swap3A_100 {strides = array<i32>} : memref<9x8x128xf32, #tpu.memory_space<vmem>>, vector<1x8x128xf32>,
    %sub3A_101 = arith.constant 5.000000e+01 : f32
    %sub3A_102 = vector.broadcast %sub3A_101 : f32 to vector<2048x128xf32>
    %sub3A_103 = arith.subf %add3A_27, %sub3A_102 : vector<2048x128xf32>
    %tanh3A_104 = math.tanh %sub3A_103 : vector<2048x128xf32>
    %get3A_105 = arith.constant 4 : index
    %get3A_106 = arith.constant 0 : index
    %get3A_107 = arith.constant 0 : index
    %get3A_108 = vector.load %arg6[%get3A_105, %get3A_106, %get3A_107] : memref<9x8x128xf32, #tpu.memory_space<vmem>>, vector<1x8x128xf32>
    %get3A_109 = vector.shape_cast %get3A_108 : vector<1x8x128xf32> to vector<8x128xf32>
    %reshape3A_110 = vector.shape_cast %tanh3A_104 : vector<2048x128xf32> to vector<256x8x128xf32>
    %reduce_sum3A_111 = arith.constant dense<0.000000e+00> : vector<8x128xf32>
    %reduce_sum3A_112 = vector.multi_reduction <add>, %reshape3A_110, %reduce_sum3A_111 [0] : vector<256x8x128xf32> to vector<8x128xf32>
    %add3A_113 = arith.addf %get3A_109, %reduce_sum3A_112 : vector<8x128xf32>
    %swap3A_114 = arith.constant 4 : index
    %swap3A_115 = arith.constant 0 : index
    %swap3A_116 = arith.constant 0 : index
    %swap3A_117 = vector.load %arg6[%swap3A_114, %swap3A_115, %swap3A_116] : memref<9x8x128xf32, #tpu.memory_space<vmem>>, vector<1x8x128xf32>
    %swap3A_118 = vector.shape_cast %swap3A_117 : vector<1x8x128xf32> to vector<8x128xf32>
    %swap3A_119 = vector.shape_cast %add3A_113 : vector<8x128xf32> to vector<1x8x128xf32>
    tpu.vector_store %arg6[%swap3A_114, %swap3A_115, %swap3A_116], %swap3A_119 {strides = array<i32>} : memref<9x8x128xf32, #tpu.memory_space<vmem>>, vector<1x8x128xf32>,
    %sub3A_120 = arith.constant 6.250000e+01 : f32
    %sub3A_121 = vector.broadcast %sub3A_120 : f32 to vector<2048x128xf32>
    %sub3A_122 = arith.subf %add3A_27, %sub3A_121 : vector<2048x128xf32>
    %tanh3A_123 = math.tanh %sub3A_122 : vector<2048x128xf32>
    %get3A_124 = arith.constant 5 : index
    %get3A_125 = arith.constant 0 : index
    %get3A_126 = arith.constant 0 : index
    %get3A_127 = vector.load %arg6[%get3A_124, %get3A_125, %get3A_126] : memref<9x8x128xf32, #tpu.memory_space<vmem>>, vector<1x8x128xf32>
    %get3A_128 = vector.shape_cast %get3A_127 : vector<1x8x128xf32> to vector<8x128xf32>
    %reshape3A_129 = vector.shape_cast %tanh3A_123 : vector<2048x128xf32> to vector<256x8x128xf32>
    %reduce_sum3A_130 = arith.constant dense<0.000000e+00> : vector<8x128xf32>
    %reduce_sum3A_131 = vector.multi_reduction <add>, %reshape3A_129, %reduce_sum3A_130 [0] : vector<256x8x128xf32> to vector<8x128xf32>
    %add3A_132 = arith.addf %get3A_128, %reduce_sum3A_131 : vector<8x128xf32>
    %swap3A_133 = arith.constant 5 : index
    %swap3A_134 = arith.constant 0 : index
    %swap3A_135 = arith.constant 0 : index
    %swap3A_136 = vector.load %arg6[%swap3A_133, %swap3A_134, %swap3A_135] : memref<9x8x128xf32, #tpu.memory_space<vmem>>, vector<1x8x128xf32>
    %swap3A_137 = vector.shape_cast %swap3A_136 : vector<1x8x128xf32> to vector<8x128xf32>
    %swap3A_138 = vector.shape_cast %add3A_132 : vector<8x128xf32> to vector<1x8x128xf32>
    tpu.vector_store %arg6[%swap3A_133, %swap3A_134, %swap3A_135], %swap3A_138 {strides = array<i32>} : memref<9x8x128xf32, #tpu.memory_space<vmem>>, vector<1x8x128xf32>,
    %sub3A_139 = arith.constant 7.500000e+01 : f32
    %sub3A_140 = vector.broadcast %sub3A_139 : f32 to vector<2048x128xf32>
    %sub3A_141 = arith.subf %add3A_27, %sub3A_140 : vector<2048x128xf32>
    %tanh3A_142 = math.tanh %sub3A_141 : vector<2048x128xf32>
    %get3A_143 = arith.constant 6 : index
    %get3A_144 = arith.constant 0 : index
    %get3A_145 = arith.constant 0 : index
    %get3A_146 = vector.load %arg6[%get3A_143, %get3A_144, %get3A_145] : memref<9x8x128xf32, #tpu.memory_space<vmem>>, vector<1x8x128xf32>
    %get3A_147 = vector.shape_cast %get3A_146 : vector<1x8x128xf32> to vector<8x128xf32>
    %reshape3A_148 = vector.shape_cast %tanh3A_142 : vector<2048x128xf32> to vector<256x8x128xf32>
    %reduce_sum3A_149 = arith.constant dense<0.000000e+00> : vector<8x128xf32>
    %reduce_sum3A_150 = vector.multi_reduction <add>, %reshape3A_148, %reduce_sum3A_149 [0] : vector<256x8x128xf32> to vector<8x128xf32>
    %add3A_151 = arith.addf %get3A_147, %reduce_sum3A_150 : vector<8x128xf32>
    %swap3A_152 = arith.constant 6 : index
    %swap3A_153 = arith.constant 0 : index
    %swap3A_154 = arith.constant 0 : index
    %swap3A_155 = vector.load %arg6[%swap3A_152, %swap3A_153, %swap3A_154] : memref<9x8x128xf32, #tpu.memory_space<vmem>>, vector<1x8x128xf32>
    %swap3A_156 = vector.shape_cast %swap3A_155 : vector<1x8x128xf32> to vector<8x128xf32>
    %swap3A_157 = vector.shape_cast %add3A_151 : vector<8x128xf32> to vector<1x8x128xf32>
    tpu.vector_store %arg6[%swap3A_152, %swap3A_153, %swap3A_154], %swap3A_157 {strides = array<i32>} : memref<9x8x128xf32, #tpu.memory_space<vmem>>, vector<1x8x128xf32>,
    %sub3A_158 = arith.constant 8.750000e+01 : f32
    %sub3A_159 = vector.broadcast %sub3A_158 : f32 to vector<2048x128xf32>
    %sub3A_160 = arith.subf %add3A_27, %sub3A_159 : vector<2048x128xf32>
    %tanh3A_161 = math.tanh %sub3A_160 : vector<2048x128xf32>
    %get3A_162 = arith.constant 7 : index
    %get3A_163 = arith.constant 0 : index
    %get3A_164 = arith.constant 0 : index
    %get3A_165 = vector.load %arg6[%get3A_162, %get3A_163, %get3A_164] : memref<9x8x128xf32, #tpu.memory_space<vmem>>, vector<1x8x128xf32>
    %get3A_166 = vector.shape_cast %get3A_165 : vector<1x8x128xf32> to vector<8x128xf32>
    %reshape3A_167 = vector.shape_cast %tanh3A_161 : vector<2048x128xf32> to vector<256x8x128xf32>
    %reduce_sum3A_168 = arith.constant dense<0.000000e+00> : vector<8x128xf32>
    %reduce_sum3A_169 = vector.multi_reduction <add>, %reshape3A_167, %reduce_sum3A_168 [0] : vector<256x8x128xf32> to vector<8x128xf32>
    %add3A_170 = arith.addf %get3A_166, %reduce_sum3A_169 : vector<8x128xf32>
    %swap3A_171 = arith.constant 7 : index
    %swap3A_172 = arith.constant 0 : index
    %swap3A_173 = arith.constant 0 : index
    %swap3A_174 = vector.load %arg6[%swap3A_171, %swap3A_172, %swap3A_173] : memref<9x8x128xf32, #tpu.memory_space<vmem>>, vector<1x8x128xf32>
    %swap3A_175 = vector.shape_cast %swap3A_174 : vector<1x8x128xf32> to vector<8x128xf32>
    %swap3A_176 = vector.shape_cast %add3A_170 : vector<8x128xf32> to vector<1x8x128xf32>
    tpu.vector_store %arg6[%swap3A_171, %swap3A_172, %swap3A_173], %swap3A_176 {strides = array<i32>} : memref<9x8x128xf32, #tpu.memory_space<vmem>>, vector<1x8x128xf32>,
    %sub3A_177 = arith.constant 1.000000e+02 : f32
    %sub3A_178 = vector.broadcast %sub3A_177 : f32 to vector<2048x128xf32>
    %sub3A_179 = arith.subf %add3A_27, %sub3A_178 : vector<2048x128xf32>
    %tanh3A_180 = math.tanh %sub3A_179 : vector<2048x128xf32>
    %get3A_181 = arith.constant 8 : index
    %get3A_182 = arith.constant 0 : index
    %get3A_183 = arith.constant 0 : index
    %get3A_184 = vector.load %arg6[%get3A_181, %get3A_182, %get3A_183] : memref<9x8x128xf32, #tpu.memory_space<vmem>>, vector<1x8x128xf32>
    %get3A_185 = vector.shape_cast %get3A_184 : vector<1x8x128xf32> to vector<8x128xf32>
    %reshape3A_186 = vector.shape_cast %tanh3A_180 : vector<2048x128xf32> to vector<256x8x128xf32>
    %reduce_sum3A_187 = arith.constant dense<0.000000e+00> : vector<8x128xf32>
    %reduce_sum3A_188 = vector.multi_reduction <add>, %reshape3A_186, %reduce_sum3A_187 [0] : vector<256x8x128xf32> to vector<8x128xf32>
    %add3A_189 = arith.addf %get3A_185, %reduce_sum3A_188 : vector<8x128xf32>
    %swap3A_190 = arith.constant 8 : index
    %swap3A_191 = arith.constant 0 : index
    %swap3A_192 = arith.constant 0 : index
    %swap3A_193 = vector.load %arg6[%swap3A_190, %swap3A_191, %swap3A_192] : memref<9x8x128xf32, #tpu.memory_space<vmem>>, vector<1x8x128xf32>
    %swap3A_194 = vector.shape_cast %swap3A_193 : vector<1x8x128xf32> to vector<8x128xf32>
    %swap3A_195 = vector.shape_cast %add3A_189 : vector<8x128xf32> to vector<1x8x128xf32>
    tpu.vector_store %arg6[%swap3A_190, %swap3A_191, %swap3A_192], %swap3A_195 {strides = array<i32>} : memref<9x8x128xf32, #tpu.memory_space<vmem>>, vector<1x8x128xf32>,
    %eq3A_196 = arith.constant 31 : i32
    %eq3A_197 = arith.cmpi eq, %arg0, %eq3A_196 : i32
    %convert_element_type3A_198 = arith.extui %eq3A_197 : i1 to i32
    %cond3A_199 = arith.constant 0 : i32
    %cond3A_200 = arith.cmpi ne, %convert_element_type3A_198, %cond3A_199 : i32
    scf.if %cond3A_200 {
      %get3A_201 = arith.constant 0 : index
      %get3A_202 = arith.constant 0 : index
      %get3A_203 = arith.constant 0 : index
      %get3A_204 = vector.load %arg6[%get3A_201, %get3A_202, %get3A_203] : memref<9x8x128xf32, #tpu.memory_space<vmem>>, vector<9x8x128xf32>
      %reduce_sum3A_205 = arith.constant dense<0.000000e+00> : vector<9x128xf32>
      %reduce_sum3A_206 = vector.multi_reduction <add>, %get3A_204, %reduce_sum3A_205 [1] : vector<9x8x128xf32> to vector<9x128xf32>
      %slice3A = vector.extract_strided_slice %reduce_sum3A_206 {offsets = [0, 0], sizes = [9, 64], strides = [1, 1]} : vector<9x128xf32> to vector<9x64xf32>
      %slice3A_207 = vector.extract_strided_slice %reduce_sum3A_206 {offsets = [0, 64], sizes = [9, 64], strides = [1, 1]} : vector<9x128xf32> to vector<9x64xf32>
      %add3A_208 = arith.addf %slice3A, %slice3A_207 : vector<9x64xf32>
      %slice3A_209 = vector.extract_strided_slice %add3A_208 {offsets = [0, 0], sizes = [8, 64], strides = [1, 1]} : vector<9x64xf32> to vector<8x64xf32>
      %slice3A_210 = vector.extract_strided_slice %add3A_208 {offsets = [1, 0], sizes = [8, 64], strides = [1, 1]} : vector<9x64xf32> to vector<8x64xf32>
      %sub3A_211 = arith.subf %slice3A_209, %slice3A_210 : vector<8x64xf32>
      %mul3A_212 = arith.constant 3.81469727E-6 : f32
      %mul3A_213 = vector.broadcast %mul3A_212 : f32 to vector<8x64xf32>
      %mul3A_214 = arith.mulf %sub3A_211, %mul3A_213 : vector<8x64xf32>
      %reduce_sum3A_215 = arith.constant dense<0.000000e+00> : vector<64xf32>
      %reduce_sum3A_216 = vector.multi_reduction <add>, %mul3A_214, %reduce_sum3A_215 [0] : vector<8x64xf32> to vector<64xf32>
      %broadcast_in_dim3A = vector.shape_cast %reduce_sum3A_216 : vector<64xf32> to vector<1x64xf32>
      %max3A = arith.constant 9.99999997E-7 : f32
      %max3A_217 = vector.broadcast %max3A : f32 to vector<1x64xf32>
      %max3A_218 = arith.maximumf %broadcast_in_dim3A, %max3A_217 : vector<1x64xf32>
      %div3A = vector.broadcast %max3A_218 : vector<1x64xf32> to vector<8x64xf32>
      %div3A_219 = arith.divf %mul3A_214, %div3A : vector<8x64xf32>
      %transpose3A = tpu.transpose %div3A_219, [1, 0] : vector<8x64xf32> -> vector<64x8xf32>
      %swap3A_220 = arith.constant 0 : index
      %swap3A_221 = arith.constant 0 : index
      %swap3A_222 = vector.load %arg5[%swap3A_220, %swap3A_221] : memref<64x8xf32, #tpu.memory_space<vmem>>, vector<64x8xf32>
      tpu.vector_store %arg5[%swap3A_220, %swap3A_221], %transpose3A {strides = array<i32>} : memref<64x8xf32, #tpu.memory_space<vmem>>, vector<64x8xf32>,
    } else {
    }
    return
  }
  func.func @transform_0(%arg0: i32) -> (i32, i32) {
    %c0_i32 = arith.constant 0 : i32
    %c0_i32_0 = arith.constant 0 : i32
    return %arg0, %c0_i32 : i32, i32
  }
  func.func @transform_1(%arg0: i32) -> (i32, i32) {
    %c0_i32 = arith.constant 0 : i32
    %c0_i32_0 = arith.constant 0 : i32
    %c0_i32_1 = arith.constant 0 : i32
    return %c0_i32, %c0_i32_0 : i32, i32
  }
  func.func @transform_2(%arg0: i32) -> (i32, i32) {
    %c0_i32 = arith.constant 0 : i32
    %c0_i32_0 = arith.constant 0 : i32
    %c0_i32_1 = arith.constant 0 : i32
    return %c0_i32, %c0_i32_0 : i32, i32
  }
  func.func @transform_3(%arg0: i32) -> (i32, i32) {
    %c0_i32 = arith.constant 0 : i32
    %c0_i32_0 = arith.constant 0 : i32
    return %arg0, %c0_i32 : i32, i32
  }
  func.func @transform_4(%arg0: i32) -> (i32, i32) {
    %c0_i32 = arith.constant 0 : i32
    %c0_i32_0 = arith.constant 0 : i32
    %c0_i32_1 = arith.constant 0 : i32
    return %c0_i32, %c0_i32_0 : i32, i32
  }
}

</mosaic_0001>

<sc_bundles>
// kernel: sparse-core-data-format-call.cloned.1.call-start
scs
called_computation_lowered:
.L_overlay_start_0:
0x0: {  	s2 =	sld [smem:$0x3FD9]  }
0x1: {  	s3 =	sld [smem:$0x3FFE];
	_ =	sdelay $0x1  }
0x2: {  	s1 =	srdreg.scid  }
0x3: {  	s0 =	sand.u32 $0x1, s1  }
0x4: {  	s15 =	sshll.u32 s0, $0xA;
	s2 =	sadd.s32 s3, s2  }
0x5: {  	s2 =	sadd.s32 s2, s15  }
0x6: {  	[smem:$0x3FC5] =	sst s2  }
0x7: {  	_ = 	snop  }
0x8: {  	s2 =	sld [smem:$0x3FD0];
	_ =	sdelay $0x2  }
0x9: {  	s16 =	simm.s32 $0xA;
	s4 =	simm.s32 $0x10  }
0xa: {  	[smem:s4], [sflag:s16] =	dma.local [hbm:s2], $0x1  }
0xb: {  	_ =	swait.eq [sflag:s16], $0x1  }
0xc: {  	[sflag:s16] =	ssyncset.done $0x0  }
0xd: {  	[sflag:s16] =	ssyncadd.s32 $0xFFFFFFFF  }
0xe: {  	s17 =	sld [smem:$0x11];
	(tm) =	ssettm $0x1  }
0xf: {  	s18 =	sld [smem:$0x3FFB];
	_ =	sdelay $0x3  }
0x10: {  	_ =	strace s18  }
0x11: {  	s3 =	sld [smem:$0x3FFC];
	_ =	sdelay $0x3  }
0x12: {  	_ =	strace s3  }
0x13: {  	s3 =	sld [smem:$0x3FFD];
	_ =	sdelay $0x3  }
0x14: {  	_ =	strace s3  }
0x15: {  	_ =	strace $0x8FFFFFFF  }
0x16: {  	s19 =	sld [smem:$0x3FDB];
	_ =	sdelay $0x1  }
0x17: {  	s20 =	simm.s32 $_scs_section_size  }
0x18: {  	s5 =	simm.s32 $_size__tile_overlayer_lowered;
	s6 =	simm.s32 $_tile_overlayer_lowered  }
0x19: {  	s23 =	simm.s32 $0x1BFF;
	s22 =	sshll.u32 s6, $0x1;
	s3 =	sadd.s32 s20, s19  }
0x1a: {  	s7 =	simm.s32 $0x0;
	s21 =	sshll.u32 s5, $0x1;
	s5 =	sadd.s32 s22, s3  }
0x1b: {  	[timem:s7], [sflag:s23] =	dma.local [hbm:s5], s21  }
0x1c: {  	_ =	swait.ge [sflag:s23], s21  }
0x1d: {  	s4 =	ssub.s32 $0x0, s21;
	[sflag:s23] =	ssyncset.done $0x0  }
0x1e: {  	[sflag:s23] =	ssyncadd.s32 s4;
	_ =	sdelay $0x1  }
0x1f: {  	s24 =	simm.s32 $0x1B8B  }
0x20: {  	_ =	swait.ge [sflag:s24], $0x1  }
0x21: {  	[sflag:s24] =	ssyncset.done $0x0  }
0x22: {  	s26 =	simm.s32 $0x1B8E;
	s25 =	sld [smem:$0x3FFE];
	[sflag:s24] =	ssyncadd.s32 $0xFFFFFFFF  }
0x23: {  	s27 =	simm.s32 $execute0_lowered;
	[smem:$0x3FD2] =	sst s26  }
0x24: {  	s5 =	sshll.u32 s27, $0x1;
	_ =	strace $0x80000046;
	[dreg:$0x1] =	wrdreg $0xFFFFFFFF  }
0x25: {  	s28 =	simm.s32 $_size_execute0_lowered;
	s3 =	sadd.s32 s3, s5;
	[dreg:$0x0] =	wrdreg $0x0  }
0x26: {  	s5 =	sshll.u32 s28, $0x1;
	[dreg:$0x2] =	wrdreg s3  }
0x27: {  	[dreg:$0x3] =	wrdreg s5  }
0x28: {  	[dreg:$0x4] =	wrdreg $0xC0  }
0x29: {  	_ =	task [dreg:s7], $0x5FFFF  }
0x2a: {  	[dreg:$0x1] =	wrdreg $0xFFFFFFFF  }
0x2b: {  	[dreg:$0x0] =	wrdreg $0x60  }
0x2c: {  	[dreg:$0x2] =	wrdreg s25  }
0x2d: {  	[dreg:$0x3] =	wrdreg s17  }
0x2e: {  	[dreg:$0x4] =	wrdreg $0x9  }
0x2f: {  	_ =	task.clear_ibuf [dreg:s7], $0x5FFFF;
	_ =	strace $0x90000046  }
0x30: {  	s29 =	simm.s32 $0x9;
	_ =	strace $0x80000048  }
0x31: {  	_ =	swait.ge [sflag:s29], $0x1  }
0x32: {  	[sflag:s29] =	ssyncadd.s32 $0xFFFFFFFF  }
0x33: {  	_ =	strace $0x90000048  }
0x34: {  	_ =	sfence  }
0x35: {  	s30 =	sld [smem:$0x0];
	_ =	sdelay $0x2  }
0x36: {  	s31 =	sshll.u32 s1, $0xD;
	s1 =	sshrl.u32 s1, $0x2  }
0x37: {  	s3 =	sand.u32 $0x4000, s31;
	s1 =	sadd.s32 s1, s30  }
0x38: {  	s0 =	sor.u32 s3, s0;
	s1 =	sshll.u32 s1, $0x11  }
0x39: {  	s0 =	sor.u32 s1, s0  }
0x3a: {  	s0 =	sadd.s32 $0x8F2B, s0  }
0x3b: {  	[sflag:s0] =	ssyncadd.remote.s32 $0x1  }
0x3c: {  	_ =	sfence.sel $0xFFFF  }
0x3d: {  	[dreg:$0x0] =	wrdreg $0xFFFFFFFF;
	(pc) =	sbr.abs _section_cstart, $3  }
0x3e: {  	[dreg:$0x1] =	wrdreg $0xFFFFFFFF  }
0x3f: {  	_ =	task.clear_ibuf [dreg:s7], $0x2FFFF;
	_ =	strace $0x9FFFFFFF  }
0x40: {  	(tm) =	ssettm $0x7FFFFFFF  }
0x41: {  	_ =	shalt  }
tec
execute0_lowered:
.L_overlay_start_1:
0x0: {  	(tag) =	ssettag $0x1  }
0x1: {  	s0 =	srdreg.scid  }
0x2: {  	s1 =	sshll.u32 s0, $0x4  }
0x3: {  	s4 =	rddreg [dreg:$0x0];
	s0 =	stileid.u32;
	s1 =	sand.u32 $0x10, s1  }
0x4: {  	s2 =	rddreg [dreg:$0x1];
	s7 =	simm.s32 $0x1;
	s1 =	sor.u32 s0, s1  }
0x5: {  	s8 =	simm.s32 $0x2;
	s11 =	simm.s32 $0x0;
	s3 =	sshll.u32 s1, $0x7  }
0x6: {  	s10 =	simm.s32 $0x0;
	s4 =	sadd.s32 $0x800, s4;
	s6 =	ssub.s32 $0x20000, s3  }
.Ltmp0:
0x7: {  	s1 =	rddreg [dreg:$0x2];
	s5 =	sand.u32 $0xF80, s6;
	(pc) =	sbr.rel .LBB1_1-.Ltmp0, $4  }
0x8: {  	_ =	strace $0x80000047;
	s9 =	smov.u32 s3;
	p0 =	sne.s32 s5, $0x0  }
0x9: {  	s6 =	sshrl.u32 s6, $0xC;
	s5 =	simm.s32 $0x1;
	s7 =	simm.s32 @!p0 $0x0  }
0xa: {  	[sflag:s5] =	ssyncpa.u1 $0x0;
	p0 =	por $0x0, $0x0;
	s6 =	sadd.s32 s7, s6  }
0xb: {  	[sflag:s8] =	ssyncpa.u1 $0x0;
	s8 =	simm.s32 $0x100000;
	s7 =	sadd.s32 $0x1, s6  }
.LBB1_4:
0xc: {  	s14 =	sshll.u32 s11, $0x3  }
0xd: {  	s15 =	sand.u32 $0x78, s11;
	s14 =	sand.u32 $0x1FC00, s14  }
0xe: {  	[tilespmem:s13+$0x810 ss:$0x81] =	vst.msk $0xffff, v2;
	s29 =	sand.u32 $0xFC000, s11;
	s30 =	sand.u32 $0x7, s11;
	s14 =	sor.u32 s15, s14  }
0xf: {  	[tilespmem:s13+$0x1020 ss:$0x81] =	vst.msk $0xffff, v0;
	s11 =	sshll.u32 s30, $0x12;
	s15 =	sadd.s32 s2, s29;
	s14 =	sshrl.u32 s14, $0x3  }
0x10: {  	[tilespmem:s13+$0x0 ss:$0x81] =	vst.msk $0xffff, v1;
	s11 =	sor.u32 $0x400, s11;
	s31 =	sadd.s32 s14, s15  }
0x11: {  	[hbm4b:s31+s11] =	stream.strided.scatter [tilespmem:s12], [sflag:$0x2], $0x2000, s8, s11, $0x20;
	[tilespmem:$0x8080] =	vst v63  }
.LBB1_5:
0x12: {  	s13 =	sadd.s32 $0x1000, s9  }
0x13: {  	p2 =	sgt.s32 s13, $0x1FFFF  }
0x14: {  	s13 =	smov.u32 @p2 s3;
	p2 =	sne.s32 s10, s7  }
.Ltmp1:
0x15: {  	p1 =	slt.u32 s10, $0x2;
	(pc) =	sbr.rel @!p2 .LBB1_6-.Ltmp1, $4  }
0x16: {  	s12 =	simm.s32 @!p1 $0x2  }
0x17: {  	s14 =	sadd.s32 $0x1, s10;
	_ =	swait.ge @!p1 [sflag:s12], $0x2000  }
0x18: {  	s11 =	smov.u32 s9;
	p0 =	por !p0, !p0;
	[sflag:s12] =	ssyncset.done @!p1 $0x0  }
0x19: {  	s10 =	smov.u32 s14;
	s9 =	smov.u32 s13;
	[sflag:s12] =	ssyncadd.s32 @!p1 $0xFFFFE000  }
.LBB1_1:
0x1a: {  	p1 =	sge.u32 s10, s6  }
0x1b: {  	s31 =	sadd.s32 $0xFFFFFFFF, s10;
	s12 =	sxor.u32 @!p1 $0xFFFFFFFF, s10;
	s13 =	sshll.u32 @!p1 s9, $0x4  }
0x1c: {  	s14 =	simm.s32 @!p1 $0x40;
	s12 =	sshll.u32 @!p1 s12, $0xD;
	s13 =	sand.u32 @!p1 $0x1FFFF0, s13  }
0x1d: {  	s15 =	simm.s32 @!p1 $0x80;
	s12 =	sand.u32 @!p1 $0x2000, s12;
	s13 =	sadd.s32 @!p1 s4, s13  }
0x1e: {  	[tilespmem:s12], [sflag:$0x1] =	stream.strided.gather @!p1 [hbm4b:s13+s14], $0x2000, s15, s14, $0x38;
	[tilespmem:$0x8080] =	vst v63  }
0x1f: {  	p1 =	sge.u32 s31, s6  }
.Ltmp2:
0x20: {  	_ = 	snop;
	(pc) =	sbr.rel @p1 .LBB1_5-.Ltmp2, $1  }
0x21: {  	_ =	sdelay $0x3  }
0x22: {  	s12 =	simm.s32 $0x1  }
0x23: {  	_ =	swait.ge [sflag:s5], $0x2000;
	s12 =	simm.s32 @!p0 $0x0  }
0x24: {  	[sflag:s5] =	ssyncset.done $0x0;
	s13 =	sshll.u32 s12, $0xD  }
0x25: {  	[sflag:s5] =	ssyncadd.s32 $0xFFFFE000;
	s16 =	sor.u32 $0x20, s13  }
0x26: {  	s12 =	smul.u32 $0x8100, s12;
	v3 =	vld [tilespmem:s16+$0x10]  }
0x27: {  	s30 =	sand.u32 $0x1, s10;
	v2 =	vld [tilespmem:s16+$0xFFFFFFF0]  }
0x28: {  	s13 =	smul.u32 $0x8100, s30;
	s12 =	sshrl.u32 s12, $0x2;
	v0 =	vld [tilespmem:s16+$0x0]  }
0x29: {  	v1 =	vld [tilespmem:s16+$0xFFFFFFE0];
	s14 =	sor.u32 $0x4000, s12  }
0x2a: {  	s31 =	sshrl.u32 s13, $0x2;
	s13 =	sadd.s32 $0x0, s14  }
0x2b: {  	s15 =	simm.s32 $0x4;
	s16 =	sadd.s32 $0x40, s16;
	s12 =	sor.u32 $0x4000, s31;
	[tilespmem:s13+$0x1830 ss:$0x81] =	vst.msk $0xffff, v3  }
.LBB1_3:
0x2c: {  	v3 =	vld [tilespmem:s16+$0x10];
	p1 =	sne.s32 s15, $0x1FC;
	[tilespmem:s13+$0x810 ss:$0x81] =	vst.msk $0xffff, v2;
	s17 =	smov.u32 s15;
	s15 =	sadd.s32 $0x4, s15  }
.Ltmp3:
0x2d: {  	v2 =	vld [tilespmem:s16+$0xFFFFFFF0];
	[tilespmem:s13+$0x1020 ss:$0x81] =	vst.msk $0xffff, v0;
	(pc) =	sbr.rel @p1 .LBB1_3-.Ltmp3, $4  }
0x2e: {  	v0 =	vld [tilespmem:s16+$0x0];
	[tilespmem:s13+$0x0 ss:$0x81] =	vst.msk $0xffff, v1  }
0x2f: {  	s13 =	sshra.s32 s17, $0x2;
	v1 =	vld [tilespmem:s16+$0xFFFFFFE0]  }
0x30: {  	s13 =	sadd.s32 s13, s14  }
0x31: {  	s16 =	sadd.s32 $0x40, s16;
	[tilespmem:s13+$0x1830 ss:$0x81] =	vst.msk $0xffff, v3  }
.Ltmp4:
0x32: {  	_ = 	snop;
	(pc) =	sbr.rel .LBB1_4-.Ltmp4, $1  }
0x33: {  	_ =	sdelay $0x3  }
.LBB1_6:
0x34: {  	_ =	sfence.sel $0x180000  }
0x35: {  	s2 =	simm.s32 $0x1;
	[bflag:$0x0] =	sbarrier.arrive $0xFFFF  }
0x36: {  	s31 =	simm.s32 $0x2;
	[sflag:s2] =	ssyncpa.u1 $0x1  }
0x37: {  	[sflag:s31] =	ssyncpa.u1 $0x1  }
0x38: {  	p0 =	sne.s32 s0, $0x0;
	_ =	strace $0x90000047  }
0x39: {  	s0 =	sadd.s32 @!p0 $0x100000, s1;
	[bflag:$0x2] =	sbarrier.arrive $0xFFFF  }
0x3a: {  	[sflag:s0] =	ssyncadd.tile.s32 @!p0 $0x1;
	_ =	shalt  }
.Lfunc_end1:
_tile_overlayer_lowered:
.L_overlay_start_2:
0x3b: {  	(tag) =	ssettag $0x2  }
0x3c: {  	s0 =	rddreg [dreg:$0x0];
	s2 =	stileid.u32  }
0x3d: {  	s1 =	rddreg [dreg:$0x1];
	p0 =	sne.s32 s2, $0x0  }
0x3e: {  	s3 =	rddreg [dreg:$0x2];
	[bflag:$0x3] =	sbarrier.arrive $0xFFFF;
	s2 =	simm.s32 @!p0 $0x1C01  }
0x3f: {  	[timem:s3], [sflag:s2] =	dma.local @!p0 [hbm:s0], s1  }
0x40: {  	s0 =	simm.s32 @!p0 $0x1  }
0x41: {  	_ =	swait.ge @!p0 [sflag:s0], s1  }
0x42: {  	s1 =	ssub.s32 @!p0 $0x0, s1;
	[sflag:s0] =	ssyncset.done @!p0 $0x0  }
0x43: {  	[sflag:s0] =	ssyncadd.s32 @!p0 s1  }
0x44: {  	[bflag:$0x3] =	sbarrier.arrive $0xFFFF  }
0x45: {  	_ =	shalt  }

</sc_bundles>
